<compile_context>
chip_gen: v7x
topology: tpu7x:2x2x1
jax: 0.10.2.dev20260603
libtpu: 0.0.44.dev20260713+nightly
codegen_flags: <defaults>
</compile_context>

<pallas_src>
import functools

import jax
import jax.numpy as jnp
from jax import lax
from jax.experimental import pallas as pl
from jax.experimental.pallas import tpu as pltpu
from jax.experimental.pallas import tpu_sc as plsc

GROUP_NUM = 1000000
EMBED = 64
LATENT = 128
BATCH = 16384

_TBM = 8192
_HSPLIT = 61 * _TBM
_HROWS = 62 * _TBM
_NC = 2
_NS = 16
_NW = _NC * _NS
_B_PER_W = BATCH // _NW
_UNROLL = 16


def _t_body(xa_ref, xb_ref, o_ref):
    r = lax.broadcasted_iota(jnp.int32, (EMBED, EMBED), 0)
    c = lax.broadcasted_iota(jnp.int32, (EMBED, EMBED), 1)
    eye = (r == c).astype(jnp.float32)
    dn = (((0,), (0,)), ((), ()))
    o_ref[:, :EMBED] = lax.dot_general(xa_ref[...], eye, dn,
                                       preferred_element_type=jnp.float32)
    o_ref[:, EMBED:] = lax.dot_general(xb_ref[...], eye, dn,
                                       preferred_element_type=jnp.float32)


def _tc_transpose(xt):
    grid = (_HROWS // _TBM,)
    nb = _HSPLIT // _TBM
    return pl.pallas_call(
        _t_body,
        grid=grid,
        compiler_params=pltpu.CompilerParams(
            fuse_transposed_lhs_in_matmul=True),
        in_specs=[
            pl.BlockSpec((EMBED, _TBM), lambda i: (0, i)),
            pl.BlockSpec((EMBED, _TBM), lambda i, nb=nb: (0, i + nb)),
        ],
        out_specs=pl.BlockSpec((_TBM, 2 * EMBED), lambda i: (i, 0)),
        out_shape=jax.ShapeDtypeStruct((_HROWS, 2 * EMBED), jnp.float32),
    )(xt, xt)


def _sc_gather_pairs(table2, idx2):
    mesh = plsc.VectorSubcoreMesh(core_axis_name="c", subcore_axis_name="s")

    @functools.partial(
        pl.kernel,
        mesh=mesh,
        out_type=jax.ShapeDtypeStruct((BATCH, 2 * EMBED), jnp.float32),
        scratch_types=[
            pltpu.VMEM((_B_PER_W,), jnp.int32),
            pltpu.VMEM((_B_PER_W, 2 * EMBED), jnp.float32),
            pltpu.SemaphoreType.DMA,
        ],
    )
    def k(table_hbm, idx_hbm, out_hbm, idx_v, rows_v, sem):
        wid = lax.axis_index("s") * _NC + lax.axis_index("c")
        base = wid * _B_PER_W
        pltpu.sync_copy(idx_hbm.at[wid], idx_v)

        def body(j, carry):
            vec = idx_v[pl.ds(j * _UNROLL, _UNROLL)]
            for u in range(_UNROLL):
                q = vec[u]
                pltpu.async_copy(
                    table_hbm.at[pl.ds(q, 1)],
                    rows_v.at[pl.ds(j * _UNROLL + u, 1)],
                    sem,
                )
            return carry

        lax.fori_loop(0, _B_PER_W // _UNROLL, body, 0)
        pltpu.make_async_copy(
            table_hbm.at[pl.ds(0, _B_PER_W)], rows_v, sem
        ).wait()
        pltpu.sync_copy(rows_v, out_hbm.at[pl.ds(base, _B_PER_W)])

    return k(table2, idx2)


def _fuse_body(pr_ref, hf_ref, tt_ref, vt_ref, w1_ref, w2_ref, w3_ref,
               b_ref, o_ref):
    pairs = pr_ref[...]
    h = hf_ref[...].reshape(pairs.shape[0], 1)
    g = jnp.where(h > 0.5, pairs[:, EMBED:], pairs[:, :EMBED])
    dn = (((0,), (0,)), ((), ()))
    acc = jnp.dot(g, w1_ref[...], preferred_element_type=jnp.float32)
    acc += lax.dot_general(tt_ref[...], w2_ref[...], dn,
                           preferred_element_type=jnp.float32)
    acc += lax.dot_general(vt_ref[...], w3_ref[...], dn,
                           preferred_element_type=jnp.float32)
    o_ref[...] = acc + b_ref[...]


def _tc_fuse(pairs, half, tt, vt, w1, w2, w3, b2):
    bm = 4096
    grid = (BATCH // bm,)
    return pl.pallas_call(
        _fuse_body,
        grid=grid,
        in_specs=[
            pl.BlockSpec((bm, 2 * EMBED), lambda i: (i, 0)),
            pl.BlockSpec((1, bm), lambda i: (0, i)),
            pl.BlockSpec((EMBED, bm), lambda i: (0, i)),
            pl.BlockSpec((EMBED, bm), lambda i: (0, i)),
            pl.BlockSpec((EMBED, LATENT), lambda i: (0, 0)),
            pl.BlockSpec((EMBED, LATENT), lambda i: (0, 0)),
            pl.BlockSpec((EMBED, LATENT), lambda i: (0, 0)),
            pl.BlockSpec((1, LATENT), lambda i: (0, 0)),
        ],
        out_specs=pl.BlockSpec((bm, LATENT), lambda i: (i, 0)),
        out_shape=jax.ShapeDtypeStruct((BATCH, LATENT), jnp.float32),
    )(pairs, half, tt, vt, w1, w2, w3, b2)


@jax.jit
def kernel(group_indices, txt_embed, vision_embed, table, W, b):
    idx = group_indices.astype(jnp.int32)
    half = (idx >= _HSPLIT).astype(jnp.int32)
    q2 = (idx - half * _HSPLIT).reshape(_NW, _B_PER_W)
    halff = half.astype(jnp.float32).reshape(1, BATCH)
    table2 = _tc_transpose(table.T)
    pairs = _sc_gather_pairs(table2, q2)
    w1 = W[:EMBED]
    w2 = W[EMBED:2 * EMBED]
    w3 = W[2 * EMBED:]
    return _tc_fuse(pairs, halff, txt_embed.T, vision_embed.T,
                    w1, w2, w3, b.reshape(1, LATENT))

# --- scband reference (transcript-rebuilt; emitter-appended) ---
"""Pipeline reference for scband-group-fusion-model-73899207295376 (READ-ONLY COPY).

The authoritative reference and input builder live on the scoring server;
editing this copy changes nothing except your own understanding.
"""

import jax, jax.numpy as jnp
import numpy as np

GROUP_NUM = 1000000
EMBED = 64
LATENT = 128
BATCH = 16384


def setup_inputs(seed: int = 0) -> dict:
    key = jax.random.key(seed)
    k1, k2, k3, k4, k5, k6 = jax.random.split(key, 6)
    group_indices = jax.random.randint(k1, (BATCH,), 0, GROUP_NUM, dtype=jnp.int64) if jax.config.jax_enable_x64 else jax.random.randint(k1, (BATCH,), 0, GROUP_NUM, dtype=jnp.int32)
    txt_embed = jax.random.normal(k2, (BATCH, EMBED), dtype=jnp.float32)
    vision_embed = jax.random.normal(k3, (BATCH, EMBED), dtype=jnp.float32)
    # learned parameters (xavier-normal style init)
    table = jax.random.normal(k4, (GROUP_NUM, EMBED), dtype=jnp.float32) * np.sqrt(2.0 / (GROUP_NUM + EMBED))
    W = jax.random.normal(k5, (3 * EMBED, LATENT), dtype=jnp.float32) * np.sqrt(2.0 / (3 * EMBED + LATENT))
    b = jnp.zeros((LATENT,), dtype=jnp.float32)
    return {"group_indices": group_indices, "txt_embed": txt_embed, "vision_embed": vision_embed, "table": table, "W": W, "b": b}


def reference(group_indices, txt_embed, vision_embed, table, W, b):
    # embedding lookup: group_embed = self.embedding_group(group_indices)
    group_embed = jnp.take(table, group_indices, axis=0)
    # FusionLayer (fusion_module='concat'): concat three modalities then project to latent
    fused = jnp.concatenate([group_embed, txt_embed, vision_embed], axis=-1)
    out = fused @ W + b
    return out

if __name__ == "__main__":
    import jax
    _d = setup_inputs()
    print(jax.jit(kernel)(*tuple(_d.values())))

</pallas_src>

<mosaic_0001>
#map = affine_map<(d0, d1) -> (0, 0)>
module attributes {stable_mosaic.version = 14 : i64} {
  func.func @k(%arg0: i32, %arg1: i32, %arg2: memref<507904x128xf32, #tpu.memory_space<hbm>>, %arg3: memref<32x512xi32, #tpu.memory_space<hbm>>, %arg4: memref<16384x128xf32, #tpu.memory_space<hbm>>, %arg5: memref<512xi32, #tpu.memory_space<vmem>>, %arg6: memref<512x128xf32, #tpu.memory_space<vmem>>, %arg7: memref<!tpu.dma_semaphore, #tpu.memory_space<semaphore_mem>>) attributes {dimension_semantics = [#tpu.dimension_semantics<core_parallel>, #tpu.dimension_semantics<subcore_parallel>], iteration_bounds = array<i64: 2, 16>, scalar_prefetch = 0 : i64, scratch_operands = 3 : i64, tpu.core_type = #tpu.core_type<sc_vector_subcore>, window_params = [{transform_indices = #map}, {transform_indices = #map}, {transform_indices = #map}]} {
    %mul3A = arith.constant 2 : i32
    %mul3A_0 = arith.muli %arg1, %mul3A : i32
    %add3A = arith.addi %mul3A_0, %arg0 : i32
    %mul3A_1 = arith.constant 512 : i32
    %mul3A_2 = arith.muli %add3A, %mul3A_1 : i32
    "tpu.region"() ({
      %run_scoped3A = tpu.sem_alloc : memref<!tpu.dma_semaphore, #tpu.memory_space<semaphore_mem>>
      %dma_start3A = arith.constant 0 : i32
      %dma_start3A_13 = tpu.memref_slice %arg3[%add3A, %dma_start3A] : memref<32x512xi32, #tpu.memory_space<hbm>> -> memref<1x512xi32, #tpu.memory_space<hbm>>
      %dma_start3A_14 = tpu.memref_squeeze %dma_start3A_13 : memref<1x512xi32, #tpu.memory_space<hbm>> -> memref<512xi32, #tpu.memory_space<hbm>>
      %dma_start3A_15 = arith.constant 0 : i32
      %dma_start3A_16 = tpu.memref_slice %arg3[%add3A, %dma_start3A_15] : memref<32x512xi32, #tpu.memory_space<hbm>> -> memref<1x512xi32, #tpu.memory_space<hbm>>
      %dma_start3A_17 = tpu.memref_squeeze %dma_start3A_16 : memref<1x512xi32, #tpu.memory_space<hbm>> -> memref<512xi32, #tpu.memory_space<hbm>>
      tpu.enqueue_dma source(%dma_start3A_17 : memref<512xi32, #tpu.memory_space<hbm>>) target(%arg5 : memref<512xi32, #tpu.memory_space<vmem>>) target_semaphore(%run_scoped3A : memref<!tpu.dma_semaphore, #tpu.memory_space<semaphore_mem>>)
      %dma_wait3A_18 = arith.constant 0 : i32
      %dma_wait3A_19 = tpu.memref_slice %arg3[%add3A, %dma_wait3A_18] : memref<32x512xi32, #tpu.memory_space<hbm>> -> memref<1x512xi32, #tpu.memory_space<hbm>>
      %dma_wait3A_20 = tpu.memref_squeeze %dma_wait3A_19 : memref<1x512xi32, #tpu.memory_space<hbm>> -> memref<512xi32, #tpu.memory_space<hbm>>
      %dma_wait3A_21 = arith.constant 0 : i32
      %dma_wait3A_22 = tpu.memref_slice %arg3[%add3A, %dma_wait3A_21] : memref<32x512xi32, #tpu.memory_space<hbm>> -> memref<1x512xi32, #tpu.memory_space<hbm>>
      %dma_wait3A_23 = tpu.memref_squeeze %dma_wait3A_22 : memref<1x512xi32, #tpu.memory_space<hbm>> -> memref<512xi32, #tpu.memory_space<hbm>>
      tpu.wait_dma2 semaphore(%run_scoped3A : memref<!tpu.dma_semaphore, #tpu.memory_space<semaphore_mem>>) src(%dma_wait3A_23 : memref<512xi32, #tpu.memory_space<hbm>>) dst(%arg5 : memref<512xi32, #tpu.memory_space<vmem>>)
      tpu.yield
    }) : () -> ()
    %scan3A = arith.constant 0 : i32
    %scan3A_3 = arith.constant 0 : i32
    %scan3A_4 = arith.constant 32 : i32
    %scan3A_5 = arith.addi %scan3A_3, %scan3A_4 : i32
    %scan3A_6 = arith.constant 1 : i32
    scf.for %scan3A_13 = %scan3A_3 to %scan3A_5 step %scan3A_6  : i32 {
      %mul3A_14 = arith.constant 16 : i32
      %mul3A_15 = arith.muli %scan3A_13, %mul3A_14 : i32
      %get3A = arith.index_cast %mul3A_15 : i32 to index
      %get3A_16 = tpu.vector_load %arg5[%get3A] {strides = array<i32>} : memref<512xi32, #tpu.memory_space<vmem>>, vector<16xi32>,
      %get3A_17 = vector.shape_cast %get3A_16 : vector<16xi32> to vector<16xi32>
      %slice3A = vector.extract_strided_slice %get3A_17 {offsets = [0], sizes = [1], strides = [1]} : vector<16xi32> to vector<1xi32>
      %squeeze3A = vector.extract %slice3A[0] : i32 from vector<1xi32>
      %mul3A_18 = arith.constant 16 : i32
      %mul3A_19 = arith.muli %scan3A_13, %mul3A_18 : i32
      %add3A_20 = arith.constant 0 : i32
      %add3A_21 = arith.addi %mul3A_19, %add3A_20 : i32
      %dma_start3A = arith.constant 0 : i32
      %dma_start3A_22 = tpu.memref_slice %arg6[%add3A_21, %dma_start3A] : memref<512x128xf32, #tpu.memory_space<vmem>> -> memref<1x128xf32, #tpu.memory_space<vmem>>
      %dma_start3A_23 = arith.constant 0 : i32
      %dma_start3A_24 = tpu.memref_slice %arg2[%squeeze3A, %dma_start3A_23] : memref<507904x128xf32, #tpu.memory_space<hbm>> -> memref<1x128xf32, #tpu.memory_space<hbm>>
      %dma_start3A_25 = arith.constant 0 : i32
      %dma_start3A_26 = tpu.memref_slice %arg6[%add3A_21, %dma_start3A_25] : memref<512x128xf32, #tpu.memory_space<vmem>> -> memref<1x128xf32, #tpu.memory_space<vmem>>
      %dma_start3A_27 = arith.constant 0 : i32
      %dma_start3A_28 = tpu.memref_slice %arg2[%squeeze3A, %dma_start3A_27] : memref<507904x128xf32, #tpu.memory_space<hbm>> -> memref<1x128xf32, #tpu.memory_space<hbm>>
      tpu.enqueue_dma source(%dma_start3A_28 : memref<1x128xf32, #tpu.memory_space<hbm>>) target(%dma_start3A_26 : memref<1x128xf32, #tpu.memory_space<vmem>>) target_semaphore(%arg7 : memref<!tpu.dma_semaphore, #tpu.memory_space<semaphore_mem>>)
      %slice3A_29 = vector.extract_strided_slice %get3A_17 {offsets = [1], sizes = [1], strides = [1]} : vector<16xi32> to vector<1xi32>
      %squeeze3A_30 = vector.extract %slice3A_29[0] : i32 from vector<1xi32>
      %mul3A_31 = arith.constant 16 : i32
      %mul3A_32 = arith.muli %scan3A_13, %mul3A_31 : i32
      %add3A_33 = arith.constant 1 : i32
      %add3A_34 = arith.addi %mul3A_32, %add3A_33 : i32
      %dma_start3A_35 = arith.constant 0 : i32
      %dma_start3A_36 = tpu.memref_slice %arg6[%add3A_34, %dma_start3A_35] : memref<512x128xf32, #tpu.memory_space<vmem>> -> memref<1x128xf32, #tpu.memory_space<vmem>>
      %dma_start3A_37 = arith.constant 0 : i32
      %dma_start3A_38 = tpu.memref_slice %arg2[%squeeze3A_30, %dma_start3A_37] : memref<507904x128xf32, #tpu.memory_space<hbm>> -> memref<1x128xf32, #tpu.memory_space<hbm>>
      %dma_start3A_39 = arith.constant 0 : i32
      %dma_start3A_40 = tpu.memref_slice %arg6[%add3A_34, %dma_start3A_39] : memref<512x128xf32, #tpu.memory_space<vmem>> -> memref<1x128xf32, #tpu.memory_space<vmem>>
      %dma_start3A_41 = arith.constant 0 : i32
      %dma_start3A_42 = tpu.memref_slice %arg2[%squeeze3A_30, %dma_start3A_41] : memref<507904x128xf32, #tpu.memory_space<hbm>> -> memref<1x128xf32, #tpu.memory_space<hbm>>
      tpu.enqueue_dma source(%dma_start3A_42 : memref<1x128xf32, #tpu.memory_space<hbm>>) target(%dma_start3A_40 : memref<1x128xf32, #tpu.memory_space<vmem>>) target_semaphore(%arg7 : memref<!tpu.dma_semaphore, #tpu.memory_space<semaphore_mem>>)
      %slice3A_43 = vector.extract_strided_slice %get3A_17 {offsets = [2], sizes = [1], strides = [1]} : vector<16xi32> to vector<1xi32>
      %squeeze3A_44 = vector.extract %slice3A_43[0] : i32 from vector<1xi32>
      %mul3A_45 = arith.constant 16 : i32
      %mul3A_46 = arith.muli %scan3A_13, %mul3A_45 : i32
      %add3A_47 = arith.constant 2 : i32
      %add3A_48 = arith.addi %mul3A_46, %add3A_47 : i32
      %dma_start3A_49 = arith.constant 0 : i32
      %dma_start3A_50 = tpu.memref_slice %arg6[%add3A_48, %dma_start3A_49] : memref<512x128xf32, #tpu.memory_space<vmem>> -> memref<1x128xf32, #tpu.memory_space<vmem>>
      %dma_start3A_51 = arith.constant 0 : i32
      %dma_start3A_52 = tpu.memref_slice %arg2[%squeeze3A_44, %dma_start3A_51] : memref<507904x128xf32, #tpu.memory_space<hbm>> -> memref<1x128xf32, #tpu.memory_space<hbm>>
      %dma_start3A_53 = arith.constant 0 : i32
      %dma_start3A_54 = tpu.memref_slice %arg6[%add3A_48, %dma_start3A_53] : memref<512x128xf32, #tpu.memory_space<vmem>> -> memref<1x128xf32, #tpu.memory_space<vmem>>
      %dma_start3A_55 = arith.constant 0 : i32
      %dma_start3A_56 = tpu.memref_slice %arg2[%squeeze3A_44, %dma_start3A_55] : memref<507904x128xf32, #tpu.memory_space<hbm>> -> memref<1x128xf32, #tpu.memory_space<hbm>>
      tpu.enqueue_dma source(%dma_start3A_56 : memref<1x128xf32, #tpu.memory_space<hbm>>) target(%dma_start3A_54 : memref<1x128xf32, #tpu.memory_space<vmem>>) target_semaphore(%arg7 : memref<!tpu.dma_semaphore, #tpu.memory_space<semaphore_mem>>)
      %slice3A_57 = vector.extract_strided_slice %get3A_17 {offsets = [3], sizes = [1], strides = [1]} : vector<16xi32> to vector<1xi32>
      %squeeze3A_58 = vector.extract %slice3A_57[0] : i32 from vector<1xi32>
      %mul3A_59 = arith.constant 16 : i32
      %mul3A_60 = arith.muli %scan3A_13, %mul3A_59 : i32
      %add3A_61 = arith.constant 3 : i32
      %add3A_62 = arith.addi %mul3A_60, %add3A_61 : i32
      %dma_start3A_63 = arith.constant 0 : i32
      %dma_start3A_64 = tpu.memref_slice %arg6[%add3A_62, %dma_start3A_63] : memref<512x128xf32, #tpu.memory_space<vmem>> -> memref<1x128xf32, #tpu.memory_space<vmem>>
      %dma_start3A_65 = arith.constant 0 : i32
      %dma_start3A_66 = tpu.memref_slice %arg2[%squeeze3A_58, %dma_start3A_65] : memref<507904x128xf32, #tpu.memory_space<hbm>> -> memref<1x128xf32, #tpu.memory_space<hbm>>
      %dma_start3A_67 = arith.constant 0 : i32
      %dma_start3A_68 = tpu.memref_slice %arg6[%add3A_62, %dma_start3A_67] : memref<512x128xf32, #tpu.memory_space<vmem>> -> memref<1x128xf32, #tpu.memory_space<vmem>>
      %dma_start3A_69 = arith.constant 0 : i32
      %dma_start3A_70 = tpu.memref_slice %arg2[%squeeze3A_58, %dma_start3A_69] : memref<507904x128xf32, #tpu.memory_space<hbm>> -> memref<1x128xf32, #tpu.memory_space<hbm>>
      tpu.enqueue_dma source(%dma_start3A_70 : memref<1x128xf32, #tpu.memory_space<hbm>>) target(%dma_start3A_68 : memref<1x128xf32, #tpu.memory_space<vmem>>) target_semaphore(%arg7 : memref<!tpu.dma_semaphore, #tpu.memory_space<semaphore_mem>>)
      %slice3A_71 = vector.extract_strided_slice %get3A_17 {offsets = [4], sizes = [1], strides = [1]} : vector<16xi32> to vector<1xi32>
      %squeeze3A_72 = vector.extract %slice3A_71[0] : i32 from vector<1xi32>
      %mul3A_73 = arith.constant 16 : i32
      %mul3A_74 = arith.muli %scan3A_13, %mul3A_73 : i32
      %add3A_75 = arith.constant 4 : i32
      %add3A_76 = arith.addi %mul3A_74, %add3A_75 : i32
      %dma_start3A_77 = arith.constant 0 : i32
      %dma_start3A_78 = tpu.memref_slice %arg6[%add3A_76, %dma_start3A_77] : memref<512x128xf32, #tpu.memory_space<vmem>> -> memref<1x128xf32, #tpu.memory_space<vmem>>
      %dma_start3A_79 = arith.constant 0 : i32
      %dma_start3A_80 = tpu.memref_slice %arg2[%squeeze3A_72, %dma_start3A_79] : memref<507904x128xf32, #tpu.memory_space<hbm>> -> memref<1x128xf32, #tpu.memory_space<hbm>>
      %dma_start3A_81 = arith.constant 0 : i32
      %dma_start3A_82 = tpu.memref_slice %arg6[%add3A_76, %dma_start3A_81] : memref<512x128xf32, #tpu.memory_space<vmem>> -> memref<1x128xf32, #tpu.memory_space<vmem>>
      %dma_start3A_83 = arith.constant 0 : i32
      %dma_start3A_84 = tpu.memref_slice %arg2[%squeeze3A_72, %dma_start3A_83] : memref<507904x128xf32, #tpu.memory_space<hbm>> -> memref<1x128xf32, #tpu.memory_space<hbm>>
      tpu.enqueue_dma source(%dma_start3A_84 : memref<1x128xf32, #tpu.memory_space<hbm>>) target(%dma_start3A_82 : memref<1x128xf32, #tpu.memory_space<vmem>>) target_semaphore(%arg7 : memref<!tpu.dma_semaphore, #tpu.memory_space<semaphore_mem>>)
      %slice3A_85 = vector.extract_strided_slice %get3A_17 {offsets = [5], sizes = [1], strides = [1]} : vector<16xi32> to vector<1xi32>
      %squeeze3A_86 = vector.extract %slice3A_85[0] : i32 from vector<1xi32>
      %mul3A_87 = arith.constant 16 : i32
      %mul3A_88 = arith.muli %scan3A_13, %mul3A_87 : i32
      %add3A_89 = arith.constant 5 : i32
      %add3A_90 = arith.addi %mul3A_88, %add3A_89 : i32
      %dma_start3A_91 = arith.constant 0 : i32
      %dma_start3A_92 = tpu.memref_slice %arg6[%add3A_90, %dma_start3A_91] : memref<512x128xf32, #tpu.memory_space<vmem>> -> memref<1x128xf32, #tpu.memory_space<vmem>>
      %dma_start3A_93 = arith.constant 0 : i32
      %dma_start3A_94 = tpu.memref_slice %arg2[%squeeze3A_86, %dma_start3A_93] : memref<507904x128xf32, #tpu.memory_space<hbm>> -> memref<1x128xf32, #tpu.memory_space<hbm>>
      %dma_start3A_95 = arith.constant 0 : i32
      %dma_start3A_96 = tpu.memref_slice %arg6[%add3A_90, %dma_start3A_95] : memref<512x128xf32, #tpu.memory_space<vmem>> -> memref<1x128xf32, #tpu.memory_space<vmem>>
      %dma_start3A_97 = arith.constant 0 : i32
      %dma_start3A_98 = tpu.memref_slice %arg2[%squeeze3A_86, %dma_start3A_97] : memref<507904x128xf32, #tpu.memory_space<hbm>> -> memref<1x128xf32, #tpu.memory_space<hbm>>
      tpu.enqueue_dma source(%dma_start3A_98 : memref<1x128xf32, #tpu.memory_space<hbm>>) target(%dma_start3A_96 : memref<1x128xf32, #tpu.memory_space<vmem>>) target_semaphore(%arg7 : memref<!tpu.dma_semaphore, #tpu.memory_space<semaphore_mem>>)
      %slice3A_99 = vector.extract_strided_slice %get3A_17 {offsets = [6], sizes = [1], strides = [1]} : vector<16xi32> to vector<1xi32>
      %squeeze3A_100 = vector.extract %slice3A_99[0] : i32 from vector<1xi32>
      %mul3A_101 = arith.constant 16 : i32
      %mul3A_102 = arith.muli %scan3A_13, %mul3A_101 : i32
      %add3A_103 = arith.constant 6 : i32
      %add3A_104 = arith.addi %mul3A_102, %add3A_103 : i32
      %dma_start3A_105 = arith.constant 0 : i32
      %dma_start3A_106 = tpu.memref_slice %arg6[%add3A_104, %dma_start3A_105] : memref<512x128xf32, #tpu.memory_space<vmem>> -> memref<1x128xf32, #tpu.memory_space<vmem>>
      %dma_start3A_107 = arith.constant 0 : i32
      %dma_start3A_108 = tpu.memref_slice %arg2[%squeeze3A_100, %dma_start3A_107] : memref<507904x128xf32, #tpu.memory_space<hbm>> -> memref<1x128xf32, #tpu.memory_space<hbm>>
      %dma_start3A_109 = arith.constant 0 : i32
      %dma_start3A_110 = tpu.memref_slice %arg6[%add3A_104, %dma_start3A_109] : memref<512x128xf32, #tpu.memory_space<vmem>> -> memref<1x128xf32, #tpu.memory_space<vmem>>
      %dma_start3A_111 = arith.constant 0 : i32
      %dma_start3A_112 = tpu.memref_slice %arg2[%squeeze3A_100, %dma_start3A_111] : memref<507904x128xf32, #tpu.memory_space<hbm>> -> memref<1x128xf32, #tpu.memory_space<hbm>>
      tpu.enqueue_dma source(%dma_start3A_112 : memref<1x128xf32, #tpu.memory_space<hbm>>) target(%dma_start3A_110 : memref<1x128xf32, #tpu.memory_space<vmem>>) target_semaphore(%arg7 : memref<!tpu.dma_semaphore, #tpu.memory_space<semaphore_mem>>)
      %slice3A_113 = vector.extract_strided_slice %get3A_17 {offsets = [7], sizes = [1], strides = [1]} : vector<16xi32> to vector<1xi32>
      %squeeze3A_114 = vector.extract %slice3A_113[0] : i32 from vector<1xi32>
      %mul3A_115 = arith.constant 16 : i32
      %mul3A_116 = arith.muli %scan3A_13, %mul3A_115 : i32
      %add3A_117 = arith.constant 7 : i32
      %add3A_118 = arith.addi %mul3A_116, %add3A_117 : i32
      %dma_start3A_119 = arith.constant 0 : i32
      %dma_start3A_120 = tpu.memref_slice %arg6[%add3A_118, %dma_start3A_119] : memref<512x128xf32, #tpu.memory_space<vmem>> -> memref<1x128xf32, #tpu.memory_space<vmem>>
      %dma_start3A_121 = arith.constant 0 : i32
      %dma_start3A_122 = tpu.memref_slice %arg2[%squeeze3A_114, %dma_start3A_121] : memref<507904x128xf32, #tpu.memory_space<hbm>> -> memref<1x128xf32, #tpu.memory_space<hbm>>
      %dma_start3A_123 = arith.constant 0 : i32
      %dma_start3A_124 = tpu.memref_slice %arg6[%add3A_118, %dma_start3A_123] : memref<512x128xf32, #tpu.memory_space<vmem>> -> memref<1x128xf32, #tpu.memory_space<vmem>>
      %dma_start3A_125 = arith.constant 0 : i32
      %dma_start3A_126 = tpu.memref_slice %arg2[%squeeze3A_114, %dma_start3A_125] : memref<507904x128xf32, #tpu.memory_space<hbm>> -> memref<1x128xf32, #tpu.memory_space<hbm>>
      tpu.enqueue_dma source(%dma_start3A_126 : memref<1x128xf32, #tpu.memory_space<hbm>>) target(%dma_start3A_124 : memref<1x128xf32, #tpu.memory_space<vmem>>) target_semaphore(%arg7 : memref<!tpu.dma_semaphore, #tpu.memory_space<semaphore_mem>>)
      %slice3A_127 = vector.extract_strided_slice %get3A_17 {offsets = [8], sizes = [1], strides = [1]} : vector<16xi32> to vector<1xi32>
      %squeeze3A_128 = vector.extract %slice3A_127[0] : i32 from vector<1xi32>
      %mul3A_129 = arith.constant 16 : i32
      %mul3A_130 = arith.muli %scan3A_13, %mul3A_129 : i32
      %add3A_131 = arith.constant 8 : i32
      %add3A_132 = arith.addi %mul3A_130, %add3A_131 : i32
      %dma_start3A_133 = arith.constant 0 : i32
      %dma_start3A_134 = tpu.memref_slice %arg6[%add3A_132, %dma_start3A_133] : memref<512x128xf32, #tpu.memory_space<vmem>> -> memref<1x128xf32, #tpu.memory_space<vmem>>
      %dma_start3A_135 = arith.constant 0 : i32
      %dma_start3A_136 = tpu.memref_slice %arg2[%squeeze3A_128, %dma_start3A_135] : memref<507904x128xf32, #tpu.memory_space<hbm>> -> memref<1x128xf32, #tpu.memory_space<hbm>>
      %dma_start3A_137 = arith.constant 0 : i32
      %dma_start3A_138 = tpu.memref_slice %arg6[%add3A_132, %dma_start3A_137] : memref<512x128xf32, #tpu.memory_space<vmem>> -> memref<1x128xf32, #tpu.memory_space<vmem>>
      %dma_start3A_139 = arith.constant 0 : i32
      %dma_start3A_140 = tpu.memref_slice %arg2[%squeeze3A_128, %dma_start3A_139] : memref<507904x128xf32, #tpu.memory_space<hbm>> -> memref<1x128xf32, #tpu.memory_space<hbm>>
      tpu.enqueue_dma source(%dma_start3A_140 : memref<1x128xf32, #tpu.memory_space<hbm>>) target(%dma_start3A_138 : memref<1x128xf32, #tpu.memory_space<vmem>>) target_semaphore(%arg7 : memref<!tpu.dma_semaphore, #tpu.memory_space<semaphore_mem>>)
      %slice3A_141 = vector.extract_strided_slice %get3A_17 {offsets = [9], sizes = [1], strides = [1]} : vector<16xi32> to vector<1xi32>
      %squeeze3A_142 = vector.extract %slice3A_141[0] : i32 from vector<1xi32>
      %mul3A_143 = arith.constant 16 : i32
      %mul3A_144 = arith.muli %scan3A_13, %mul3A_143 : i32
      %add3A_145 = arith.constant 9 : i32
      %add3A_146 = arith.addi %mul3A_144, %add3A_145 : i32
      %dma_start3A_147 = arith.constant 0 : i32
      %dma_start3A_148 = tpu.memref_slice %arg6[%add3A_146, %dma_start3A_147] : memref<512x128xf32, #tpu.memory_space<vmem>> -> memref<1x128xf32, #tpu.memory_space<vmem>>
      %dma_start3A_149 = arith.constant 0 : i32
      %dma_start3A_150 = tpu.memref_slice %arg2[%squeeze3A_142, %dma_start3A_149] : memref<507904x128xf32, #tpu.memory_space<hbm>> -> memref<1x128xf32, #tpu.memory_space<hbm>>
      %dma_start3A_151 = arith.constant 0 : i32
      %dma_start3A_152 = tpu.memref_slice %arg6[%add3A_146, %dma_start3A_151] : memref<512x128xf32, #tpu.memory_space<vmem>> -> memref<1x128xf32, #tpu.memory_space<vmem>>
      %dma_start3A_153 = arith.constant 0 : i32
      %dma_start3A_154 = tpu.memref_slice %arg2[%squeeze3A_142, %dma_start3A_153] : memref<507904x128xf32, #tpu.memory_space<hbm>> -> memref<1x128xf32, #tpu.memory_space<hbm>>
      tpu.enqueue_dma source(%dma_start3A_154 : memref<1x128xf32, #tpu.memory_space<hbm>>) target(%dma_start3A_152 : memref<1x128xf32, #tpu.memory_space<vmem>>) target_semaphore(%arg7 : memref<!tpu.dma_semaphore, #tpu.memory_space<semaphore_mem>>)
      %slice3A_155 = vector.extract_strided_slice %get3A_17 {offsets = [10], sizes = [1], strides = [1]} : vector<16xi32> to vector<1xi32>
      %squeeze3A_156 = vector.extract %slice3A_155[0] : i32 from vector<1xi32>
      %mul3A_157 = arith.constant 16 : i32
      %mul3A_158 = arith.muli %scan3A_13, %mul3A_157 : i32
      %add3A_159 = arith.constant 10 : i32
      %add3A_160 = arith.addi %mul3A_158, %add3A_159 : i32
      %dma_start3A_161 = arith.constant 0 : i32
      %dma_start3A_162 = tpu.memref_slice %arg6[%add3A_160, %dma_start3A_161] : memref<512x128xf32, #tpu.memory_space<vmem>> -> memref<1x128xf32, #tpu.memory_space<vmem>>
      %dma_start3A_163 = arith.constant 0 : i32
      %dma_start3A_164 = tpu.memref_slice %arg2[%squeeze3A_156, %dma_start3A_163] : memref<507904x128xf32, #tpu.memory_space<hbm>> -> memref<1x128xf32, #tpu.memory_space<hbm>>
      %dma_start3A_165 = arith.constant 0 : i32
      %dma_start3A_166 = tpu.memref_slice %arg6[%add3A_160, %dma_start3A_165] : memref<512x128xf32, #tpu.memory_space<vmem>> -> memref<1x128xf32, #tpu.memory_space<vmem>>
      %dma_start3A_167 = arith.constant 0 : i32
      %dma_start3A_168 = tpu.memref_slice %arg2[%squeeze3A_156, %dma_start3A_167] : memref<507904x128xf32, #tpu.memory_space<hbm>> -> memref<1x128xf32, #tpu.memory_space<hbm>>
      tpu.enqueue_dma source(%dma_start3A_168 : memref<1x128xf32, #tpu.memory_space<hbm>>) target(%dma_start3A_166 : memref<1x128xf32, #tpu.memory_space<vmem>>) target_semaphore(%arg7 : memref<!tpu.dma_semaphore, #tpu.memory_space<semaphore_mem>>)
      %slice3A_169 = vector.extract_strided_slice %get3A_17 {offsets = [11], sizes = [1], strides = [1]} : vector<16xi32> to vector<1xi32>
      %squeeze3A_170 = vector.extract %slice3A_169[0] : i32 from vector<1xi32>
      %mul3A_171 = arith.constant 16 : i32
      %mul3A_172 = arith.muli %scan3A_13, %mul3A_171 : i32
      %add3A_173 = arith.constant 11 : i32
      %add3A_174 = arith.addi %mul3A_172, %add3A_173 : i32
      %dma_start3A_175 = arith.constant 0 : i32
      %dma_start3A_176 = tpu.memref_slice %arg6[%add3A_174, %dma_start3A_175] : memref<512x128xf32, #tpu.memory_space<vmem>> -> memref<1x128xf32, #tpu.memory_space<vmem>>
      %dma_start3A_177 = arith.constant 0 : i32
      %dma_start3A_178 = tpu.memref_slice %arg2[%squeeze3A_170, %dma_start3A_177] : memref<507904x128xf32, #tpu.memory_space<hbm>> -> memref<1x128xf32, #tpu.memory_space<hbm>>
      %dma_start3A_179 = arith.constant 0 : i32
      %dma_start3A_180 = tpu.memref_slice %arg6[%add3A_174, %dma_start3A_179] : memref<512x128xf32, #tpu.memory_space<vmem>> -> memref<1x128xf32, #tpu.memory_space<vmem>>
      %dma_start3A_181 = arith.constant 0 : i32
      %dma_start3A_182 = tpu.memref_slice %arg2[%squeeze3A_170, %dma_start3A_181] : memref<507904x128xf32, #tpu.memory_space<hbm>> -> memref<1x128xf32, #tpu.memory_space<hbm>>
      tpu.enqueue_dma source(%dma_start3A_182 : memref<1x128xf32, #tpu.memory_space<hbm>>) target(%dma_start3A_180 : memref<1x128xf32, #tpu.memory_space<vmem>>) target_semaphore(%arg7 : memref<!tpu.dma_semaphore, #tpu.memory_space<semaphore_mem>>)
      %slice3A_183 = vector.extract_strided_slice %get3A_17 {offsets = [12], sizes = [1], strides = [1]} : vector<16xi32> to vector<1xi32>
      %squeeze3A_184 = vector.extract %slice3A_183[0] : i32 from vector<1xi32>
      %mul3A_185 = arith.constant 16 : i32
      %mul3A_186 = arith.muli %scan3A_13, %mul3A_185 : i32
      %add3A_187 = arith.constant 12 : i32
      %add3A_188 = arith.addi %mul3A_186, %add3A_187 : i32
      %dma_start3A_189 = arith.constant 0 : i32
      %dma_start3A_190 = tpu.memref_slice %arg6[%add3A_188, %dma_start3A_189] : memref<512x128xf32, #tpu.memory_space<vmem>> -> memref<1x128xf32, #tpu.memory_space<vmem>>
      %dma_start3A_191 = arith.constant 0 : i32
      %dma_start3A_192 = tpu.memref_slice %arg2[%squeeze3A_184, %dma_start3A_191] : memref<507904x128xf32, #tpu.memory_space<hbm>> -> memref<1x128xf32, #tpu.memory_space<hbm>>
      %dma_start3A_193 = arith.constant 0 : i32
      %dma_start3A_194 = tpu.memref_slice %arg6[%add3A_188, %dma_start3A_193] : memref<512x128xf32, #tpu.memory_space<vmem>> -> memref<1x128xf32, #tpu.memory_space<vmem>>
      %dma_start3A_195 = arith.constant 0 : i32
      %dma_start3A_196 = tpu.memref_slice %arg2[%squeeze3A_184, %dma_start3A_195] : memref<507904x128xf32, #tpu.memory_space<hbm>> -> memref<1x128xf32, #tpu.memory_space<hbm>>
      tpu.enqueue_dma source(%dma_start3A_196 : memref<1x128xf32, #tpu.memory_space<hbm>>) target(%dma_start3A_194 : memref<1x128xf32, #tpu.memory_space<vmem>>) target_semaphore(%arg7 : memref<!tpu.dma_semaphore, #tpu.memory_space<semaphore_mem>>)
      %slice3A_197 = vector.extract_strided_slice %get3A_17 {offsets = [13], sizes = [1], strides = [1]} : vector<16xi32> to vector<1xi32>
      %squeeze3A_198 = vector.extract %slice3A_197[0] : i32 from vector<1xi32>
      %mul3A_199 = arith.constant 16 : i32
      %mul3A_200 = arith.muli %scan3A_13, %mul3A_199 : i32
      %add3A_201 = arith.constant 13 : i32
      %add3A_202 = arith.addi %mul3A_200, %add3A_201 : i32
      %dma_start3A_203 = arith.constant 0 : i32
      %dma_start3A_204 = tpu.memref_slice %arg6[%add3A_202, %dma_start3A_203] : memref<512x128xf32, #tpu.memory_space<vmem>> -> memref<1x128xf32, #tpu.memory_space<vmem>>
      %dma_start3A_205 = arith.constant 0 : i32
      %dma_start3A_206 = tpu.memref_slice %arg2[%squeeze3A_198, %dma_start3A_205] : memref<507904x128xf32, #tpu.memory_space<hbm>> -> memref<1x128xf32, #tpu.memory_space<hbm>>
      %dma_start3A_207 = arith.constant 0 : i32
      %dma_start3A_208 = tpu.memref_slice %arg6[%add3A_202, %dma_start3A_207] : memref<512x128xf32, #tpu.memory_space<vmem>> -> memref<1x128xf32, #tpu.memory_space<vmem>>
      %dma_start3A_209 = arith.constant 0 : i32
      %dma_start3A_210 = tpu.memref_slice %arg2[%squeeze3A_198, %dma_start3A_209] : memref<507904x128xf32, #tpu.memory_space<hbm>> -> memref<1x128xf32, #tpu.memory_space<hbm>>
      tpu.enqueue_dma source(%dma_start3A_210 : memref<1x128xf32, #tpu.memory_space<hbm>>) target(%dma_start3A_208 : memref<1x128xf32, #tpu.memory_space<vmem>>) target_semaphore(%arg7 : memref<!tpu.dma_semaphore, #tpu.memory_space<semaphore_mem>>)
      %slice3A_211 = vector.extract_strided_slice %get3A_17 {offsets = [14], sizes = [1], strides = [1]} : vector<16xi32> to vector<1xi32>
      %squeeze3A_212 = vector.extract %slice3A_211[0] : i32 from vector<1xi32>
      %mul3A_213 = arith.constant 16 : i32
      %mul3A_214 = arith.muli %scan3A_13, %mul3A_213 : i32
      %add3A_215 = arith.constant 14 : i32
      %add3A_216 = arith.addi %mul3A_214, %add3A_215 : i32
      %dma_start3A_217 = arith.constant 0 : i32
      %dma_start3A_218 = tpu.memref_slice %arg6[%add3A_216, %dma_start3A_217] : memref<512x128xf32, #tpu.memory_space<vmem>> -> memref<1x128xf32, #tpu.memory_space<vmem>>
      %dma_start3A_219 = arith.constant 0 : i32
      %dma_start3A_220 = tpu.memref_slice %arg2[%squeeze3A_212, %dma_start3A_219] : memref<507904x128xf32, #tpu.memory_space<hbm>> -> memref<1x128xf32, #tpu.memory_space<hbm>>
      %dma_start3A_221 = arith.constant 0 : i32
      %dma_start3A_222 = tpu.memref_slice %arg6[%add3A_216, %dma_start3A_221] : memref<512x128xf32, #tpu.memory_space<vmem>> -> memref<1x128xf32, #tpu.memory_space<vmem>>
      %dma_start3A_223 = arith.constant 0 : i32
      %dma_start3A_224 = tpu.memref_slice %arg2[%squeeze3A_212, %dma_start3A_223] : memref<507904x128xf32, #tpu.memory_space<hbm>> -> memref<1x128xf32, #tpu.memory_space<hbm>>
      tpu.enqueue_dma source(%dma_start3A_224 : memref<1x128xf32, #tpu.memory_space<hbm>>) target(%dma_start3A_222 : memref<1x128xf32, #tpu.memory_space<vmem>>) target_semaphore(%arg7 : memref<!tpu.dma_semaphore, #tpu.memory_space<semaphore_mem>>)
      %slice3A_225 = vector.extract_strided_slice %get3A_17 {offsets = [15], sizes = [1], strides = [1]} : vector<16xi32> to vector<1xi32>
      %squeeze3A_226 = vector.extract %slice3A_225[0] : i32 from vector<1xi32>
      %mul3A_227 = arith.constant 16 : i32
      %mul3A_228 = arith.muli %scan3A_13, %mul3A_227 : i32
      %add3A_229 = arith.constant 15 : i32
      %add3A_230 = arith.addi %mul3A_228, %add3A_229 : i32
      %dma_start3A_231 = arith.constant 0 : i32
      %dma_start3A_232 = tpu.memref_slice %arg6[%add3A_230, %dma_start3A_231] : memref<512x128xf32, #tpu.memory_space<vmem>> -> memref<1x128xf32, #tpu.memory_space<vmem>>
      %dma_start3A_233 = arith.constant 0 : i32
      %dma_start3A_234 = tpu.memref_slice %arg2[%squeeze3A_226, %dma_start3A_233] : memref<507904x128xf32, #tpu.memory_space<hbm>> -> memref<1x128xf32, #tpu.memory_space<hbm>>
      %dma_start3A_235 = arith.constant 0 : i32
      %dma_start3A_236 = tpu.memref_slice %arg6[%add3A_230, %dma_start3A_235] : memref<512x128xf32, #tpu.memory_space<vmem>> -> memref<1x128xf32, #tpu.memory_space<vmem>>
      %dma_start3A_237 = arith.constant 0 : i32
      %dma_start3A_238 = tpu.memref_slice %arg2[%squeeze3A_226, %dma_start3A_237] : memref<507904x128xf32, #tpu.memory_space<hbm>> -> memref<1x128xf32, #tpu.memory_space<hbm>>
      tpu.enqueue_dma source(%dma_start3A_238 : memref<1x128xf32, #tpu.memory_space<hbm>>) target(%dma_start3A_236 : memref<1x128xf32, #tpu.memory_space<vmem>>) target_semaphore(%arg7 : memref<!tpu.dma_semaphore, #tpu.memory_space<semaphore_mem>>)
    }
    %scan3A_7 = arith.constant 32 : i32
    %dma_wait3A = arith.constant 0 : i32
    %dma_wait3A_8 = arith.constant 0 : i32
    %dma_wait3A_9 = tpu.memref_slice %arg2[%dma_wait3A, %dma_wait3A_8] : memref<507904x128xf32, #tpu.memory_space<hbm>> -> memref<512x128xf32, #tpu.memory_space<hbm>>
    %dma_wait3A_10 = arith.constant 0 : i32
    %dma_wait3A_11 = arith.constant 0 : i32
    %dma_wait3A_12 = tpu.memref_slice %arg2[%dma_wait3A_10, %dma_wait3A_11] : memref<507904x128xf32, #tpu.memory_space<hbm>> -> memref<512x128xf32, #tpu.memory_space<hbm>>
    tpu.wait_dma2 semaphore(%arg7 : memref<!tpu.dma_semaphore, #tpu.memory_space<semaphore_mem>>) src(%dma_wait3A_12 : memref<512x128xf32, #tpu.memory_space<hbm>>) dst(%arg6 : memref<512x128xf32, #tpu.memory_space<vmem>>)
    "tpu.region"() ({
      %run_scoped3A = tpu.sem_alloc : memref<!tpu.dma_semaphore, #tpu.memory_space<semaphore_mem>>
      %dma_start3A = arith.constant 0 : i32
      %dma_start3A_13 = tpu.memref_slice %arg4[%mul3A_2, %dma_start3A] : memref<16384x128xf32, #tpu.memory_space<hbm>> -> memref<512x128xf32, #tpu.memory_space<hbm>>
      %dma_start3A_14 = arith.constant 0 : i32
      %dma_start3A_15 = tpu.memref_slice %arg4[%mul3A_2, %dma_start3A_14] : memref<16384x128xf32, #tpu.memory_space<hbm>> -> memref<512x128xf32, #tpu.memory_space<hbm>>
      tpu.enqueue_dma source(%arg6 : memref<512x128xf32, #tpu.memory_space<vmem>>) target(%dma_start3A_15 : memref<512x128xf32, #tpu.memory_space<hbm>>) target_semaphore(%run_scoped3A : memref<!tpu.dma_semaphore, #tpu.memory_space<semaphore_mem>>)
      %dma_wait3A_16 = arith.constant 0 : i32
      %dma_wait3A_17 = tpu.memref_slice %arg4[%mul3A_2, %dma_wait3A_16] : memref<16384x128xf32, #tpu.memory_space<hbm>> -> memref<512x128xf32, #tpu.memory_space<hbm>>
      %dma_wait3A_18 = arith.constant 0 : i32
      %dma_wait3A_19 = tpu.memref_slice %arg4[%mul3A_2, %dma_wait3A_18] : memref<16384x128xf32, #tpu.memory_space<hbm>> -> memref<512x128xf32, #tpu.memory_space<hbm>>
      tpu.wait_dma2 semaphore(%run_scoped3A : memref<!tpu.dma_semaphore, #tpu.memory_space<semaphore_mem>>) src(%arg6 : memref<512x128xf32, #tpu.memory_space<vmem>>) dst(%dma_wait3A_19 : memref<512x128xf32, #tpu.memory_space<hbm>>)
      tpu.yield
    }) : () -> ()
    return
  }
}

module attributes {stable_mosaic.version = 14 : i64} {
  func.func @_fuse_body(%arg0: i32, %arg1: memref<4096x128xf32, #tpu.memory_space<vmem>>, %arg2: memref<1x4096xf32, #tpu.memory_space<vmem>>, %arg3: memref<64x4096xf32, #tpu.memory_space<vmem>>, %arg4: memref<64x4096xf32, #tpu.memory_space<vmem>>, %arg5: memref<64x128xf32, #tpu.memory_space<vmem>>, %arg6: memref<64x128xf32, #tpu.memory_space<vmem>>, %arg7: memref<64x128xf32, #tpu.memory_space<vmem>>, %arg8: memref<1x128xf32, #tpu.memory_space<vmem>>, %arg9: memref<4096x128xf32, #tpu.memory_space<vmem>>) attributes {dimension_semantics = [#tpu.dimension_semantics<arbitrary>], iteration_bounds = array<i64: 4>, scalar_prefetch = 0 : i64, scratch_operands = 0 : i64, tpu.core_type = #tpu.core_type<tc>, window_params = [{transform_indices = @transform_0, window_bounds = array<i64: 4096, 128>}, {transform_indices = @transform_1, window_bounds = array<i64: 1, 4096>}, {transform_indices = @transform_2, window_bounds = array<i64: 64, 4096>}, {transform_indices = @transform_3, window_bounds = array<i64: 64, 4096>}, {pipeline_mode = #tpu.pipeline_mode<synchronous>, transform_indices = @transform_4, window_bounds = array<i64: 64, 128>}, {pipeline_mode = #tpu.pipeline_mode<synchronous>, transform_indices = @transform_5, window_bounds = array<i64: 64, 128>}, {pipeline_mode = #tpu.pipeline_mode<synchronous>, transform_indices = @transform_6, window_bounds = array<i64: 64, 128>}, {pipeline_mode = #tpu.pipeline_mode<synchronous>, transform_indices = @transform_7, window_bounds = array<i64: 1, 128>}, {transform_indices = @transform_8, window_bounds = array<i64: 4096, 128>}]} {
    %get3A = arith.constant 0 : index
    %get3A_0 = arith.constant 0 : index
    %get3A_1 = vector.load %arg1[%get3A, %get3A_0] : memref<4096x128xf32, #tpu.memory_space<vmem>>, vector<4096x128xf32>
    %get3A_2 = arith.constant 0 : index
    %get3A_3 = arith.constant 0 : index
    %get3A_4 = vector.load %arg2[%get3A_2, %get3A_3] : memref<1x4096xf32, #tpu.memory_space<vmem>>, vector<1x4096xf32>
    %reshape3A = vector.shape_cast %get3A_4 : vector<1x4096xf32> to vector<4096x1xf32>
    %gt3A = arith.constant 5.000000e-01 : f32
    %gt3A_5 = vector.broadcast %gt3A : f32 to vector<4096x1xf32>
    %gt3A_6 = arith.cmpf ogt, %reshape3A, %gt3A_5 : vector<4096x1xf32>
    %slice3A = vector.extract_strided_slice %get3A_1 {offsets = [0, 64], sizes = [4096, 64], strides = [1, 1]} : vector<4096x128xf32> to vector<4096x64xf32>
    %slice3A_7 = vector.extract_strided_slice %get3A_1 {offsets = [0, 0], sizes = [4096, 64], strides = [1, 1]} : vector<4096x128xf32> to vector<4096x64xf32>
    %broadcast_in_dim3A = vector.shape_cast %gt3A_6 : vector<4096x1xi1> to vector<4096x1xi1>
    %broadcast_in_dim3A_8 = vector.broadcast %broadcast_in_dim3A : vector<4096x1xi1> to vector<4096x64xi1>
    %select_n3A = arith.select %broadcast_in_dim3A_8, %slice3A, %slice3A_7 : vector<4096x64xi1>, vector<4096x64xf32>
    %get3A_9 = arith.constant 0 : index
    %get3A_10 = arith.constant 0 : index
    %get3A_11 = vector.load %arg5[%get3A_9, %get3A_10] : memref<64x128xf32, #tpu.memory_space<vmem>>, vector<64x128xf32>
    %dot_general3A = arith.constant dense<0.000000e+00> : vector<4096x128xf32>
    %dot_general3A_12 = tpu.matmul %select_n3A, %get3A_11, %dot_general3A {dimension_numbers = #tpu.dot_dimension_numbers<[1], [0], [0], [1], [0, 0, 1, 1], [], []>, transpose_lhs_hint = false} : vector<4096x64xf32>, vector<64x128xf32>, vector<4096x128xf32> -> vector<4096x128xf32>
    %get3A_13 = arith.constant 0 : index
    %get3A_14 = arith.constant 0 : index
    %get3A_15 = vector.load %arg3[%get3A_13, %get3A_14] : memref<64x4096xf32, #tpu.memory_space<vmem>>, vector<64x4096xf32>
    %get3A_16 = arith.constant 0 : index
    %get3A_17 = arith.constant 0 : index
    %get3A_18 = vector.load %arg6[%get3A_16, %get3A_17] : memref<64x128xf32, #tpu.memory_space<vmem>>, vector<64x128xf32>
    %dot_general3A_19 = arith.constant dense<0.000000e+00> : vector<4096x128xf32>
    %dot_general3A_20 = tpu.matmul %get3A_15, %get3A_18, %dot_general3A_19 {dimension_numbers = #tpu.dot_dimension_numbers<[0], [0], [1], [1], [0, 1, 1, 1], [], []>, transpose_lhs_hint = false} : vector<64x4096xf32>, vector<64x128xf32>, vector<4096x128xf32> -> vector<4096x128xf32>
    %add3A = arith.addf %dot_general3A_12, %dot_general3A_20 : vector<4096x128xf32>
    %get3A_21 = arith.constant 0 : index
    %get3A_22 = arith.constant 0 : index
    %get3A_23 = vector.load %arg4[%get3A_21, %get3A_22] : memref<64x4096xf32, #tpu.memory_space<vmem>>, vector<64x4096xf32>
    %get3A_24 = arith.constant 0 : index
    %get3A_25 = arith.constant 0 : index
    %get3A_26 = vector.load %arg7[%get3A_24, %get3A_25] : memref<64x128xf32, #tpu.memory_space<vmem>>, vector<64x128xf32>
    %dot_general3A_27 = arith.constant dense<0.000000e+00> : vector<4096x128xf32>
    %dot_general3A_28 = tpu.matmul %get3A_23, %get3A_26, %dot_general3A_27 {dimension_numbers = #tpu.dot_dimension_numbers<[0], [0], [1], [1], [0, 1, 1, 1], [], []>, transpose_lhs_hint = false} : vector<64x4096xf32>, vector<64x128xf32>, vector<4096x128xf32> -> vector<4096x128xf32>
    %add3A_29 = arith.addf %add3A, %dot_general3A_28 : vector<4096x128xf32>
    %get3A_30 = arith.constant 0 : index
    %get3A_31 = arith.constant 0 : index
    %get3A_32 = vector.load %arg8[%get3A_30, %get3A_31] : memref<1x128xf32, #tpu.memory_space<vmem>>, vector<1x128xf32>
    %add3A_33 = vector.broadcast %get3A_32 : vector<1x128xf32> to vector<4096x128xf32>
    %add3A_34 = arith.addf %add3A_29, %add3A_33 : vector<4096x128xf32>
    %swap3A = arith.constant 0 : index
    %swap3A_35 = arith.constant 0 : index
    %swap3A_36 = vector.load %arg9[%swap3A, %swap3A_35] : memref<4096x128xf32, #tpu.memory_space<vmem>>, vector<4096x128xf32>
    tpu.vector_store %arg9[%swap3A, %swap3A_35], %add3A_34 {strides = array<i32>} : memref<4096x128xf32, #tpu.memory_space<vmem>>, vector<4096x128xf32>,
    return
  }
  func.func @transform_0(%arg0: i32) -> (i32, i32) {
    %c0_i32 = arith.constant 0 : i32
    %c0_i32_0 = arith.constant 0 : i32
    return %arg0, %c0_i32 : i32, i32
  }
  func.func @transform_1(%arg0: i32) -> (i32, i32) {
    %c0_i32 = arith.constant 0 : i32
    %c0_i32_0 = arith.constant 0 : i32
    return %c0_i32, %arg0 : i32, i32
  }
  func.func @transform_2(%arg0: i32) -> (i32, i32) {
    %c0_i32 = arith.constant 0 : i32
    %c0_i32_0 = arith.constant 0 : i32
    return %c0_i32, %arg0 : i32, i32
  }
  func.func @transform_3(%arg0: i32) -> (i32, i32) {
    %c0_i32 = arith.constant 0 : i32
    %c0_i32_0 = arith.constant 0 : i32
    return %c0_i32, %arg0 : i32, i32
  }
  func.func @transform_4(%arg0: i32) -> (i32, i32) {
    %c0_i32 = arith.constant 0 : i32
    %c0_i32_0 = arith.constant 0 : i32
    %c0_i32_1 = arith.constant 0 : i32
    return %c0_i32, %c0_i32_0 : i32, i32
  }
  func.func @transform_5(%arg0: i32) -> (i32, i32) {
    %c0_i32 = arith.constant 0 : i32
    %c0_i32_0 = arith.constant 0 : i32
    %c0_i32_1 = arith.constant 0 : i32
    return %c0_i32, %c0_i32_0 : i32, i32
  }
  func.func @transform_6(%arg0: i32) -> (i32, i32) {
    %c0_i32 = arith.constant 0 : i32
    %c0_i32_0 = arith.constant 0 : i32
    %c0_i32_1 = arith.constant 0 : i32
    return %c0_i32, %c0_i32_0 : i32, i32
  }
  func.func @transform_7(%arg0: i32) -> (i32, i32) {
    %c0_i32 = arith.constant 0 : i32
    %c0_i32_0 = arith.constant 0 : i32
    %c0_i32_1 = arith.constant 0 : i32
    return %c0_i32, %c0_i32_0 : i32, i32
  }
  func.func @transform_8(%arg0: i32) -> (i32, i32) {
    %c0_i32 = arith.constant 0 : i32
    %c0_i32_0 = arith.constant 0 : i32
    return %arg0, %c0_i32 : i32, i32
  }
}

module attributes {stable_mosaic.version = 14 : i64} {
  func.func @_t_body(%arg0: i32, %arg1: memref<64x8192xf32, #tpu.memory_space<vmem>>, %arg2: memref<64x8192xf32, #tpu.memory_space<vmem>>, %arg3: memref<8192x128xf32, #tpu.memory_space<vmem>>) attributes {dimension_semantics = [#tpu.dimension_semantics<arbitrary>], iteration_bounds = array<i64: 62>, scalar_prefetch = 0 : i64, scratch_operands = 0 : i64, tpu.core_type = #tpu.core_type<tc>, window_params = [{transform_indices = @transform_0, window_bounds = array<i64: 64, 8192>}, {transform_indices = @transform_1, window_bounds = array<i64: 64, 8192>}, {transform_indices = @transform_2, window_bounds = array<i64: 8192, 128>}]} {
    %iota3A = tpu.iota {dimensions = array<i32: 0>} : vector<64x64xi32>
    %iota3A_0 = tpu.iota {dimensions = array<i32: 1>} : vector<64x64xi32>
    %eq3A = arith.cmpi eq, %iota3A, %iota3A_0 : vector<64x64xi32>
    %convert_element_type3A = arith.extui %eq3A : vector<64x64xi1> to vector<64x64xi32>
    %convert_element_type3A_1 = arith.sitofp %convert_element_type3A : vector<64x64xi32> to vector<64x64xf32>
    %get3A = arith.constant 0 : index
    %get3A_2 = arith.constant 0 : index
    %get3A_3 = vector.load %arg1[%get3A, %get3A_2] : memref<64x8192xf32, #tpu.memory_space<vmem>>, vector<64x8192xf32>
    %dot_general3A = arith.constant dense<0.000000e+00> : vector<8192x64xf32>
    %dot_general3A_4 = tpu.matmul %get3A_3, %convert_element_type3A_1, %dot_general3A {dimension_numbers = #tpu.dot_dimension_numbers<[0], [0], [1], [1], [0, 1, 1, 1], [], []>, transpose_lhs_hint = true} : vector<64x8192xf32>, vector<64x64xf32>, vector<8192x64xf32> -> vector<8192x64xf32>
    %swap3A = arith.constant 0 : index
    %swap3A_5 = arith.constant 0 : index
    %swap3A_6 = vector.load %arg3[%swap3A, %swap3A_5] : memref<8192x128xf32, #tpu.memory_space<vmem>>, vector<8192x64xf32>
    tpu.vector_store %arg3[%swap3A, %swap3A_5], %dot_general3A_4 {strides = array<i32>} : memref<8192x128xf32, #tpu.memory_space<vmem>>, vector<8192x64xf32>,
    %get3A_7 = arith.constant 0 : index
    %get3A_8 = arith.constant 0 : index
    %get3A_9 = vector.load %arg2[%get3A_7, %get3A_8] : memref<64x8192xf32, #tpu.memory_space<vmem>>, vector<64x8192xf32>
    %dot_general3A_10 = arith.constant dense<0.000000e+00> : vector<8192x64xf32>
    %dot_general3A_11 = tpu.matmul %get3A_9, %convert_element_type3A_1, %dot_general3A_10 {dimension_numbers = #tpu.dot_dimension_numbers<[0], [0], [1], [1], [0, 1, 1, 1], [], []>, transpose_lhs_hint = true} : vector<64x8192xf32>, vector<64x64xf32>, vector<8192x64xf32> -> vector<8192x64xf32>
    %swap3A_12 = arith.constant 0 : index
    %swap3A_13 = arith.constant 64 : index
    %swap3A_14 = vector.load %arg3[%swap3A_12, %swap3A_13] : memref<8192x128xf32, #tpu.memory_space<vmem>>, vector<8192x64xf32>
    tpu.vector_store %arg3[%swap3A_12, %swap3A_13], %dot_general3A_11 {strides = array<i32>} : memref<8192x128xf32, #tpu.memory_space<vmem>>, vector<8192x64xf32>,
    return
  }
  func.func @transform_0(%arg0: i32) -> (i32, i32) {
    %c0_i32 = arith.constant 0 : i32
    %c0_i32_0 = arith.constant 0 : i32
    return %c0_i32, %arg0 : i32, i32
  }
  func.func @transform_1(%arg0: i32) -> (i32, i32) {
    %add3A = arith.constant 61 : i32
    %add3A_0 = arith.addi %arg0, %add3A : i32
    %c0_i32 = arith.constant 0 : i32
    %c0_i32_1 = arith.constant 0 : i32
    return %c0_i32, %add3A_0 : i32, i32
  }
  func.func @transform_2(%arg0: i32) -> (i32, i32) {
    %c0_i32 = arith.constant 0 : i32
    %c0_i32_0 = arith.constant 0 : i32
    return %arg0, %c0_i32 : i32, i32
  }
}

</mosaic_0001>

<sc_bundles>
// kernel: kernel.5.cloned.1.call-start
scs
__scs_entry_jumppad:
0x0: {  	(pc) =	sbr.rel $0x88, $3  }
0x1: {  	(tag) =	ssettag $0x0;
	lr =	simm.s32 $0x1  }
0x2: {  	[smem:$0x3F9B] =	sst lr;
	_ =	strace $0xD0000000  }
0x3: {  	_ = 	snop  }
0x4: {  	_ = 	snop  }
0x5: {  	_ = 	snop  }
0x6: {  	_ = 	snop  }
0x7: {  	_ = 	snop  }
__scs_overlays_trampoline_lowered:
0x8: {  	[smem:$0x3FAA] =	sst s0  }
0x9: {  	[smem:$0x3FAB] =	sst s1  }
0xa: {  	[smem:$0x3FAC] =	sst s2  }
0xb: {  	[smem:$0x3FAD] =	sst s3  }
0xc: {  	[smem:$0x3FAE] =	sst s4  }
0xd: {  	[smem:$0x3FAF] =	sst s5  }
0xe: {  	[smem:$0x3FB0] =	sst s6  }
0xf: {  	[smem:$0x3FB1] =	sst s7  }
0x10: {  	[smem:$0x3FB2] =	sst s8  }
0x11: {  	[smem:$0x3FB3] =	sst s9;
	s0 =	simm.s32 @!p0 $0x0  }
0x12: {  	s1 =	sld [smem:$0x3F99];
	s0 =	simm.s32 @p0 $0x1  }
0x13: {  	[smem:$0x3FB4] =	sst s0;
	s0 =	simm.s32 @!p1 $0x0  }
0x14: {  	s2 =	sld [smem:$0x3F98];
	s0 =	simm.s32 @p1 $0x1  }
0x15: {  	[smem:$0x3FB5] =	sst s0;
	s0 =	simm.s32 @!p2 $0x0  }
0x16: {  	s3 =	sld [smem:$0x3FDB];
	s0 =	simm.s32 @p2 $0x1  }
0x17: {  	s4 =	simm.s32 $0x1BF5;
	[smem:$0x3FB7] =	sst s0  }
0x18: {  	s0 =	sld [smem:$0x3F9A];
	_ =	swait.ge [sflag:s4], $0x0  }
0x19: {  	s7 =	sld [smem:$0x3F9B]  }
0x1a: {  	s8 =	sadd.s32 $0xFFFFE003, lr  }
0x1b: {  	s9 =	sadd.s32 $0xFFFFFEF7, lr;
	s5 =	simm.s32 $0xFFFFFFFF;
	p2 =	slt.u32 s8, $0xFFFFF086  }
0x1c: {  	p1 =	slt.u32 s9, $0xF7A;
	s5 =	simm.s32 @!p2 $0x0  }
0x1d: {  	s5 =	simm.s32 @p1 $0x1;
	p0 =	seq.s32 s7, s2  }
0x1e: {  	s7 =	smul.u32 @!p0 $0xF7A, s2;
	p2 =	seq.s32 @!p0 s5, $0x0  }
0x1f: {  	s9 =	smul.u32 $0xF7A, s1;
	s8 =	simm.s32 @!p0 $0x1BF5;
	p2 =	por !p2, p0  }
0x20: {  	[sflag:s8] =	ssyncset.s32 @!p0 $0xFFFFF086;
	s6 =	sadd.s32 @!p0 s3, s7;
	s7 =	simm.s32 @!p0 $0x108  }
0x21: {  	s3 =	sadd.s32 s3, s9;
	s6 =	sadd.s32 @!p0 $0x88, s6;
	s7 =	simm.s32 @p2 $0x1082  }
0x22: {  	[simem:s7], [sflag:s8] =	dma.local @!p0 [hbm:s6], $0xF7A  }
0x23: {  	s9 =	sor.u32 $0xD0000000, s2;
	s6 =	simm.s32 $0x108;
	_ =	swait.ge @!p0 [sflag:s8], $0x0  }
0x24: {  	s3 =	sadd.s32 $0x88, s3;
	s6 =	simm.s32 @!p1 $0x1082;
	[sflag:s4] =	ssyncset.s32 $0xFFFFF086  }
0x25: {  	[simem:s6], [sflag:s4] =	dma.local [hbm:s3], $0xF7A  }
0x26: {  	[smem:$0x3F9B] =	sst s1;
	(tag) =	ssettag s2;
	_ =	strace s9  }
0x27: {  	s1 =	sld [smem:$0x3FAB]  }
0x28: {  	s2 =	sld [smem:$0x3FAC]  }
0x29: {  	s4 =	sld [smem:$0x3FAE]  }
0x2a: {  	p0 =	seq.s32 s5, $0x0;
	s5 =	sld [smem:$0x3FAF]  }
0x2b: {  	s6 =	sld [smem:$0x3FB0]  }
0x2c: {  	s7 =	sld [smem:$0x3FB1]  }
0x2d: {  	s3 =	simm.s32 $0x108;
	s8 =	sld [smem:$0x3FB2]  }
0x2e: {  	s3 =	simm.s32 @!p0 $0x1082;
	s9 =	sld [smem:$0x3FB3]  }
0x2f: {  	lr =	sadd.s32 s0, s3;
	s0 =	sld [smem:$0x3FAA]  }
0x30: {  	s3 =	sld [smem:$0x3FAD]  }
0x31: {  	[smem:$0x3FB6] =	sst s10  }
0x32: {  	s10 =	sld [smem:$0x3FB4];
	_ =	sdelay $0x3  }
0x33: {  	p0 =	seq.s32 s10, $0x1;
	s10 =	sld [smem:$0x3FB6];
	_ =	sdelay $0x3  }
0x34: {  	[smem:$0x3FB6] =	sst s10  }
0x35: {  	s10 =	sld [smem:$0x3FB5];
	_ =	sdelay $0x3  }
0x36: {  	p1 =	seq.s32 s10, $0x1;
	s10 =	sld [smem:$0x3FB6];
	_ =	sdelay $0x3  }
0x37: {  	[smem:$0x3FB6] =	sst s10  }
0x38: {  	s10 =	sld [smem:$0x3FB7]  }
0x39: {  	_ = 	snop;
	(pc) =	sbr.ind lr, $3  }
0x3a: {  	_ = 	snop  }
0x3b: {  	_ = 	snop  }
0x3c: {  	p2 =	seq.s32 s10, $0x1;
	s10 =	sld [smem:$0x3FB6]  }
0x3d: {  	_ =	shalt  }
0x3e: {  	_ =	shalt  }
0x3f: {  	_ =	shalt  }
0x40: {  	_ =	shalt  }
0x41: {  	_ =	shalt  }
0x42: {  	_ =	shalt  }
0x43: {  	_ =	shalt  }
0x44: {  	_ =	shalt  }
0x45: {  	_ =	shalt  }
0x46: {  	_ =	shalt  }
0x47: {  	_ =	shalt  }
0x48: {  	_ =	shalt  }
0x49: {  	_ =	shalt  }
0x4a: {  	_ =	shalt  }
0x4b: {  	_ =	shalt  }
0x4c: {  	_ =	shalt  }
0x4d: {  	_ =	shalt  }
0x4e: {  	_ =	shalt  }
0x4f: {  	_ =	shalt  }
0x50: {  	_ =	shalt  }
0x51: {  	_ =	shalt  }
0x52: {  	_ =	shalt  }
0x53: {  	_ =	shalt  }
0x54: {  	_ =	shalt  }
0x55: {  	_ =	shalt  }
0x56: {  	_ =	shalt  }
0x57: {  	_ =	shalt  }
0x58: {  	_ =	shalt  }
0x59: {  	_ =	shalt  }
0x5a: {  	_ =	shalt  }
0x5b: {  	_ =	shalt  }
0x5c: {  	_ =	shalt  }
0x5d: {  	_ =	shalt  }
0x5e: {  	_ =	shalt  }
0x5f: {  	_ =	shalt  }
0x60: {  	_ =	shalt  }
0x61: {  	_ =	shalt  }
0x62: {  	_ =	shalt  }
0x63: {  	_ =	shalt  }
0x64: {  	_ =	shalt  }
0x65: {  	_ =	shalt  }
0x66: {  	_ =	shalt  }
0x67: {  	_ =	shalt  }
0x68: {  	_ =	shalt  }
0x69: {  	_ =	shalt  }
0x6a: {  	_ =	shalt  }
0x6b: {  	_ =	shalt  }
0x6c: {  	_ =	shalt  }
0x6d: {  	_ =	shalt  }
0x6e: {  	_ =	shalt  }
0x6f: {  	_ =	shalt  }
0x70: {  	_ =	shalt  }
0x71: {  	_ =	shalt  }
0x72: {  	_ =	shalt  }
0x73: {  	_ =	shalt  }
0x74: {  	_ =	shalt  }
0x75: {  	_ =	shalt  }
0x76: {  	_ =	shalt  }
0x77: {  	_ =	shalt  }
0x78: {  	_ =	shalt  }
0x79: {  	_ =	shalt  }
0x7a: {  	_ =	shalt  }
0x7b: {  	_ =	shalt  }
0x7c: {  	_ =	shalt  }
0x7d: {  	_ =	shalt  }
0x7e: {  	_ =	shalt  }
0x7f: {  	_ =	shalt  }
0x80: {  	_ =	shalt  }
0x81: {  	_ =	shalt  }
0x82: {  	_ =	shalt  }
0x83: {  	_ =	shalt  }
0x84: {  	_ =	shalt  }
0x85: {  	_ =	shalt  }
0x86: {  	_ =	shalt  }
0x87: {  	_ =	shalt  }
.Lfunc_end0:
.L_simem_size_0:
called_computation_lowered:
.L_overlay_start_0:
0x88: {  	s2 =	sld [smem:$0x3FD9]  }
0x89: {  	s3 =	sld [smem:$0x3FFE];
	_ =	sdelay $0x1  }
0x8a: {  	s1 =	srdreg.scid  }
0x8b: {  	s0 =	sand.u32 $0x1, s1  }
0x8c: {  	s17 =	sshll.u32 s0, $0xA;
	s2 =	sadd.s32 s3, s2  }
0x8d: {  	s2 =	sadd.s32 s2, s17  }
0x8e: {  	[smem:$0x3FC2] =	sst s2  }
0x8f: {  	_ = 	snop  }
0x90: {  	s2 =	sld [smem:$0x3FD0];
	(tm) =	ssettm $0x1  }
0x91: {  	s18 =	sld [smem:$0x3FFB];
	_ =	sdelay $0x3  }
0x92: {  	_ =	strace s18  }
0x93: {  	s3 =	sld [smem:$0x3FFC];
	_ =	sdelay $0x3  }
0x94: {  	_ =	strace s3  }
0x95: {  	s3 =	sld [smem:$0x3FFD];
	_ =	sdelay $0x3  }
0x96: {  	_ =	strace s3  }
0x97: {  	_ =	strace $0x8FFFFFFF  }
0x98: {  	s19 =	sld [smem:$0x3FDB];
	_ =	sdelay $0x1  }
0x99: {  	s4 =	simm.s32 $_scs_section_size  }
0x9a: {  	s5 =	simm.s32 $_size__tile_overlayer_lowered;
	s6 =	simm.s32 $_tile_overlayer_lowered  }
0x9b: {  	s22 =	simm.s32 $0x1BFF;
	s21 =	sshll.u32 s6, $0x1;
	s3 =	sadd.s32 s4, s19  }
0x9c: {  	s7 =	simm.s32 $0x0;
	s20 =	sshll.u32 s5, $0x1;
	s5 =	sadd.s32 s21, s3  }
0x9d: {  	[timem:s7], [sflag:s22] =	dma.local [hbm:s5], s20  }
0x9e: {  	_ =	swait.ge [sflag:s22], s20  }
0x9f: {  	s4 =	ssub.s32 $0x0, s20;
	[sflag:s22] =	ssyncset.done $0x0  }
0xa0: {  	[sflag:s22] =	ssyncadd.s32 s4;
	_ =	sdelay $0x1  }
0xa1: {  	s23 =	simm.s32 $0x1B8B  }
0xa2: {  	_ =	swait.ge [sflag:s23], $0x1  }
0xa3: {  	[sflag:s23] =	ssyncset.done $0x0  }
0xa4: {  	s25 =	simm.s32 $0x1B8E;
	s24 =	sld [smem:$0x3FFE];
	[sflag:s23] =	ssyncadd.s32 $0xFFFFFFFF  }
0xa5: {  	s26 =	simm.s32 $execute0_lowered;
	[smem:$0x3FD2] =	sst s25  }
0xa6: {  	s5 =	sshll.u32 s26, $0x1;
	_ =	strace $0x80000046;
	[dreg:$0x1] =	wrdreg $0xFFFFFFFF  }
0xa7: {  	s28 =	simm.s32 $_size_execute0_lowered;
	s3 =	sadd.s32 s3, s5;
	[dreg:$0x0] =	wrdreg $0x0  }
0xa8: {  	s5 =	sshll.u32 s28, $0x1;
	[dreg:$0x2] =	wrdreg s3  }
0xa9: {  	[dreg:$0x3] =	wrdreg s5  }
0xaa: {  	[dreg:$0x4] =	wrdreg $0xC0  }
0xab: {  	_ =	task [dreg:s7], $0x5FFFF  }
0xac: {  	[dreg:$0x1] =	wrdreg $0xFFFFFFFF  }
0xad: {  	[dreg:$0x0] =	wrdreg $0x60  }
0xae: {  	[dreg:$0x2] =	wrdreg s24  }
0xaf: {  	[dreg:$0x3] =	wrdreg s2  }
0xb0: {  	[dreg:$0x4] =	wrdreg $0x9  }
0xb1: {  	_ =	task.clear_ibuf [dreg:s7], $0x5FFFF;
	_ =	strace $0x90000046  }
0xb2: {  	s29 =	simm.s32 $0x9;
	_ =	strace $0x80000048  }
0xb3: {  	_ =	swait.ge [sflag:s29], $0x1  }
0xb4: {  	[sflag:s29] =	ssyncadd.s32 $0xFFFFFFFF  }
0xb5: {  	_ =	strace $0x90000048  }
0xb6: {  	_ =	sfence  }
0xb7: {  	s30 =	sld [smem:$0x0];
	_ =	sdelay $0x2  }
0xb8: {  	s31 =	sshll.u32 s1, $0xD;
	s1 =	sshrl.u32 s1, $0x2  }
0xb9: {  	s3 =	sand.u32 $0x4000, s31;
	s1 =	sadd.s32 s1, s30  }
0xba: {  	s0 =	sor.u32 s3, s0;
	s1 =	sshll.u32 s1, $0x11  }
0xbb: {  	s0 =	sor.u32 s1, s0  }
0xbc: {  	s0 =	sadd.s32 $0x8F2B, s0  }
0xbd: {  	[sflag:s0] =	ssyncadd.remote.s32 $0x1  }
0xbe: {  	_ =	sfence.sel $0xFFFF  }
0xbf: {  	[dreg:$0x0] =	wrdreg $0xFFFFFFFF;
	(pc) =	sbr.abs _section_cstart, $3  }
0xc0: {  	[dreg:$0x1] =	wrdreg $0xFFFFFFFF  }
0xc1: {  	_ =	task.clear_ibuf [dreg:s7], $0x2FFFF;
	_ =	strace $0x9FFFFFFF  }
0xc2: {  	(tm) =	ssettm $0x7FFFFFFF  }
0xc3: {  	_ =	shalt  }
tec
execute0_lowered:
.L_overlay_start_1:
0x0: {  	(tag) =	ssettag $0x1  }
0x1: {  	s4 =	rddreg [dreg:$0x0]  }
0x2: {  	s5 =	rddreg [dreg:$0x1];
	s2 =	simm.s32 $0x0  }
0x3: {  	s0 =	stileid.u32;
	s3 =	srdreg.scid;
	s10 =	simm.s32 $0x1  }
0x4: {  	s11 =	simm.s32 $0x200;
	s12 =	simm.s32 $0x0;
	[smem:$0x7FF] =	sst s2  }
0x5: {  	s6 =	sand.u32 $0x1, s3;
	s7 =	sshll.u32 s0, $0x1;
	s3 =	sadd.s32 $0x1400, s4  }
0x6: {  	s8 =	sshll.u32 s0, $0x7;
	_ =	strace $0x80000047;
	s7 =	sor.u32 s6, s7  }
0x7: {  	s8 =	sand.u32 $0x600, s8;
	s6 =	ssub.s32 $0x2, s6;
	s9 =	sshll.u32 s7, $0x4  }
0x8: {  	s4 =	sadd.s32 s8, s4;
	s31 =	sshrl.u32 s6, $0x1;
	s7 =	sshll.u32 s7, $0xD  }
0x9: {  	s8 =	simm.s32 $0x400;
	s9 =	sand.u32 $0x70, s9;
	s6 =	ssub.s32 s6, s31  }
0xa: {  	s5 =	sadd.s32 s5, s7;
	s7 =	simm.s32 $0x80;
	s4 =	sadd.s32 s9, s4  }
0xb: {  	s6 =	smax.u32 s6, $0x1;
	s9 =	simm.s32 $0x2;
	s4 =	sadd.s32 $0x7C1400, s4  }
.LBB2_1:
0xc: {  	[tilespmem:s2], [sflag:$0x2] =	stream.strided.gather [hbm4b:s4+s7], $0x200, s8, s7, $0x38;
	[tilespmem:$0x10200] =	vst v63  }
0xd: {  	_ =	swait.ge [sflag:s9], $0x200  }
0xe: {  	[sflag:s9] =	ssyncset.done $0x0  }
0xf: {  	[sflag:s9] =	ssyncadd.s32 $0xFFFFFE00  }
0x10: {  	v0 =	vld [tilespmem:s2+$0x0];
	_ =	sdelay $0x4  }
0x11: {  	v0 =	vshll.u32 v0, $0x4  }
0x12: {  	(v2sf) =	vpush v0, $0x0  }
0x13: {  	(v2sf) =	vpush v0, $0x1  }
0x14: {  	(v2sf) =	vpush v0, $0x2;
	_ =	sdelay $0x1  }
0x15: {  	(v2sf) =	vpush v0, $0x4;
	_ =	sdelay $0x1  }
0x16: {  	(v2sf) =	vpush v0, $0x3  }
0x17: {  	(v2sf) =	vpush v0, $0x5  }
0x18: {  	s14 =	simm.s32 $0x2000;
	s13 =	simm.s32 $0x0;
	s15 =	simm.s32 $0x0;
	(v2sf) =	vpush v0, $0x6  }
.LBB2_2:
0x19: {  	p0 =	sne.s32 s14, $0x3E000  }
0x1a: {  	s25 =	sadd.s32 $0x280, s13;
	s19 =	sadd.s32 $0x780, s13;
	s16 =	smov.u32 s14  }
0x1b: {  	s14 =	sadd.s32 $0x2000, s14;
	s22 =	sadd.s32 $0x580, s13;
	s17 =	sadd.s32 $0x800, s13;
	(v2sf) =	vpush v0, $0x7  }
0x1c: {  	s24 =	sadd.s32 $0x480, s13;
	s21 =	sadd.s32 $0x600, s13;
	s18 =	sadd.s32 $0x880, s13  }
0x1d: {  	s26 =	sadd.s32 $0x200, s13;
	s28 =	sadd.s32 $0x400, s13;
	(v2sf) =	vpush v0, $0x8  }
0x1e: {  	s29 =	sadd.s32 $0x500, s13;
	s15 =	sadd.s32 $0x10, s15  }
0x1f: {  	s30 =	sadd.s32 $0x300, s13;
	s20 =	sadd.s32 $0x700, s13;
	s23 =	spop (v2sf);
	(v2sf) =	vpush v0, $0x9  }
0x20: {  	s31 =	sand.u32 $0x1FFFFFF0, s23;
	s23 =	sadd.s32 $0x680, s13;
	s0 =	spop (v2sf)  }
0x21: {  	s31 =	sadd.s32 s3, s31;
	s0 =	sand.u32 $0x1FFFFFF0, s0;
	s1 =	spop (v2sf);
	(v2sf) =	vpush v0, $0xA  }
0x22: {  	[tilespmem:s26], [sflag:$0x1] =	stream.linear.gather [hbm4b:s31+s2], $0x80, $0x38;
	[tilespmem:$0x10200] =	vst v63  }
0x23: {  	s0 =	sadd.s32 s3, s0;
	s26 =	sadd.s32 $0x380, s13;
	s31 =	spop (v2sf);
	(v2sf) =	vpush v0, $0xB  }
0x24: {  	[tilespmem:s25], [sflag:$0x1] =	stream.linear.gather [hbm4b:s0+s2], $0x80, $0x38;
	[tilespmem:$0x10200] =	vst v63  }
0x25: {  	s0 =	sand.u32 $0x1FFFFFF0, s1;
	s1 =	sand.u32 $0x1FFFFFF0, s31;
	s25 =	spop (v2sf);
	(v2sf) =	vpush v0, $0xC  }
0x26: {  	s0 =	sadd.s32 s3, s0;
	s25 =	sand.u32 $0x1FFFFFF0, s25;
	s31 =	spop (v2sf)  }
0x27: {  	[tilespmem:s30], [sflag:$0x1] =	stream.linear.gather [hbm4b:s0+s2], $0x80, $0x38;
	(v2sf) =	vpush v0, $0xD;
	[tilespmem:$0x10200] =	vst v63  }
0x28: {  	s0 =	sadd.s32 s3, s25;
	s25 =	sand.u32 $0x1FFFFFF0, s31;
	s30 =	spop (v2sf)  }
0x29: {  	[tilespmem:s26], [sflag:$0x1] =	stream.linear.gather [hbm4b:s0+s2], $0x80, $0x38;
	(v2sf) =	vpush v0, $0xE;
	[tilespmem:$0x10200] =	vst v63  }
0x2a: {  	s0 =	sadd.s32 s3, s1;
	s1 =	sand.u32 $0x1FFFFFF0, s30;
	s26 =	spop (v2sf)  }
0x2b: {  	[tilespmem:s28], [sflag:$0x1] =	stream.linear.gather [hbm4b:s0+s2], $0x80, $0x38;
	(v2sf) =	vpush v0, $0xF;
	[tilespmem:$0x10200] =	vst v63  }
0x2c: {  	s0 =	sadd.s32 s3, s25;
	s25 =	sand.u32 $0x1FFFFFF0, s26;
	s26 =	spop (v2sf)  }
0x2d: {  	[tilespmem:s24], [sflag:$0x1] =	stream.linear.gather [hbm4b:s0+s2], $0x80, $0x38;
	[tilespmem:$0x10200] =	vst v63  }
0x2e: {  	s0 =	sadd.s32 s3, s1;
	s1 =	sand.u32 $0x1FFFFFF0, s26;
	s24 =	spop (v2sf)  }
0x2f: {  	[tilespmem:s29], [sflag:$0x1] =	stream.linear.gather [hbm4b:s0+s2], $0x80, $0x38;
	[tilespmem:$0x10200] =	vst v63  }
0x30: {  	s0 =	sadd.s32 s3, s25;
	s24 =	sand.u32 $0x1FFFFFF0, s24;
	s25 =	spop (v2sf)  }
0x31: {  	[tilespmem:s22], [sflag:$0x1] =	stream.linear.gather [hbm4b:s0+s2], $0x80, $0x38;
	[tilespmem:$0x10200] =	vst v63  }
0x32: {  	s0 =	sadd.s32 s3, s1;
	s1 =	sand.u32 $0x1FFFFFF0, s25;
	s22 =	spop (v2sf)  }
0x33: {  	[tilespmem:s21], [sflag:$0x1] =	stream.linear.gather [hbm4b:s0+s2], $0x80, $0x38;
	[tilespmem:$0x10200] =	vst v63  }
0x34: {  	s0 =	sadd.s32 s3, s24;
	s21 =	sand.u32 $0x1FFFFFF0, s22;
	s22 =	spop (v2sf)  }
0x35: {  	[tilespmem:s23], [sflag:$0x1] =	stream.linear.gather [hbm4b:s0+s2], $0x80, $0x38;
	[tilespmem:$0x10200] =	vst v63  }
0x36: {  	s0 =	sadd.s32 s3, s1;
	s1 =	sand.u32 $0x1FFFFFF0, s22;
	s22 =	spop (v2sf)  }
0x37: {  	[tilespmem:s20], [sflag:$0x1] =	stream.linear.gather [hbm4b:s0+s2], $0x80, $0x38;
	[tilespmem:$0x10200] =	vst v63  }
0x38: {  	s0 =	sadd.s32 s3, s21;
	s20 =	sand.u32 $0x1FFFFFF0, s22;
	s21 =	spop (v2sf)  }
0x39: {  	[tilespmem:s19], [sflag:$0x1] =	stream.linear.gather [hbm4b:s0+s2], $0x80, $0x38;
	[tilespmem:$0x10200] =	vst v63  }
0x3a: {  	s0 =	sadd.s32 s3, s1;
	s1 =	sand.u32 $0x1FFFFFF0, s21;
	s19 =	spop (v2sf)  }
0x3b: {  	[tilespmem:s17], [sflag:$0x1] =	stream.linear.gather [hbm4b:s0+s2], $0x80, $0x38;
	[tilespmem:$0x10200] =	vst v63  }
0x3c: {  	s0 =	sadd.s32 s3, s20;
	s17 =	sand.u32 $0x1FFFFFF0, s19  }
0x3d: {  	[tilespmem:s18], [sflag:$0x1] =	stream.linear.gather [hbm4b:s0+s2], $0x80, $0x38;
	[tilespmem:$0x10200] =	vst v63  }
0x3e: {  	s1 =	sadd.s32 s3, s1;
	s0 =	sadd.s32 $0x900, s13  }
0x3f: {  	[tilespmem:s0], [sflag:$0x1] =	stream.linear.gather [hbm4b:s1+s2], $0x80, $0x38;
	[tilespmem:$0x10200] =	vst v63  }
0x40: {  	s0 =	sadd.s32 $0x980, s13;
	s1 =	sadd.s32 s3, s17  }
0x41: {  	[tilespmem:s0], [sflag:$0x1] =	stream.linear.gather [hbm4b:s1+s2], $0x80, $0x38;
	[tilespmem:$0x10200] =	vst v63  }
0x42: {  	v0 =	vld [tilespmem:s15+$0x0];
	_ =	sdelay $0x4  }
0x43: {  	v0 =	vshll.u32 v0, $0x4  }
0x44: {  	(v2sf) =	vpush v0, $0x0  }
0x45: {  	(v2sf) =	vpush v0, $0x1  }
0x46: {  	(v2sf) =	vpush v0, $0x2;
	_ =	sdelay $0x1  }
0x47: {  	(v2sf) =	vpush v0, $0x4  }
.Ltmp0:
0x48: {  	(pc) =	sbr.rel @p0 .LBB2_2-.Ltmp0, $3  }
0x49: {  	(v2sf) =	vpush v0, $0x3  }
0x4a: {  	(v2sf) =	vpush v0, $0x5;
	_ =	sdelay $0x1  }
0x4b: {  	s13 =	sshra.s32 s16, $0x2;
	(v2sf) =	vpush v0, $0x6  }
0x4c: {  	_ =	sdelay $0x1  }
0x4d: {  	s0 =	sadd.s32 $0x280, s13;
	s16 =	sadd.s32 $0x780, s13  }
0x4e: {  	s1 =	sadd.s32 $0x580, s13;
	s14 =	sadd.s32 $0x800, s13;
	(v2sf) =	vpush v0, $0x7;
	s17 =	sadd.s32 $0x480, s13  }
0x4f: {  	s18 =	sadd.s32 $0x600, s13;
	s15 =	sadd.s32 $0x880, s13;
	s19 =	sadd.s32 $0x200, s13  }
0x50: {  	s20 =	sadd.s32 $0x400, s13;
	s21 =	sadd.s32 $0x500, s13;
	(v2sf) =	vpush v0, $0x8;
	s22 =	spop (v2sf)  }
0x51: {  	s23 =	sadd.s32 $0x300, s13;
	s22 =	sand.u32 $0x1FFFFFF0, s22;
	s24 =	spop (v2sf)  }
0x52: {  	(v2sf) =	vpush v0, $0x9;
	s22 =	sadd.s32 s3, s22;
	s24 =	sand.u32 $0x1FFFFFF0, s24;
	s25 =	spop (v2sf)  }
0x53: {  	[tilespmem:s19], [sflag:$0x1] =	stream.linear.gather [hbm4b:s22+s2], $0x80, $0x38;
	[tilespmem:$0x10200] =	vst v63  }
0x54: {  	(v2sf) =	vpush v0, $0xA;
	s26 =	sadd.s32 s3, s24;
	s29 =	sand.u32 $0x1FFFFFF0, s25;
	s28 =	spop (v2sf)  }
0x55: {  	[tilespmem:s0], [sflag:$0x1] =	stream.linear.gather [hbm4b:s26+s2], $0x80, $0x38;
	[tilespmem:$0x10200] =	vst v63  }
0x56: {  	s19 =	sadd.s32 $0x700, s13;
	(v2sf) =	vpush v0, $0xB;
	s22 =	sadd.s32 s3, s29;
	s30 =	spop (v2sf)  }
0x57: {  	s0 =	sadd.s32 $0x680, s13;
	s26 =	sadd.s32 $0x380, s13;
	s25 =	sand.u32 $0x1FFFFFF0, s30  }
0x58: {  	(v2sf) =	vpush v0, $0xC;
	[tilespmem:s23], [sflag:$0x1] =	stream.linear.gather [hbm4b:s22+s2], $0x80, $0x38;
	[tilespmem:$0x10200] =	vst v63  }
0x59: {  	s31 =	sand.u32 $0x1FFFFFF0, s28;
	s28 =	spop (v2sf);
	s29 =	sadd.s32 s3, s25  }
0x5a: {  	(v2sf) =	vpush v0, $0xD;
	[tilespmem:s26], [sflag:$0x1] =	stream.linear.gather [hbm4b:s29+s2], $0x80, $0x38;
	[tilespmem:$0x10200] =	vst v63  }
0x5b: {  	s22 =	sadd.s32 s3, s31;
	s23 =	sand.u32 $0x1FFFFFF0, s28;
	s30 =	spop (v2sf)  }
0x5c: {  	(v2sf) =	vpush v0, $0xE;
	[tilespmem:s20], [sflag:$0x1] =	stream.linear.gather [hbm4b:s22+s2], $0x80, $0x38;
	[tilespmem:$0x10200] =	vst v63  }
0x5d: {  	s23 =	sadd.s32 s3, s23;
	s31 =	sand.u32 $0x1FFFFFF0, s30;
	s24 =	spop (v2sf)  }
0x5e: {  	(v2sf) =	vpush v0, $0xF;
	[tilespmem:s17], [sflag:$0x1] =	stream.linear.gather [hbm4b:s23+s2], $0x80, $0x38;
	[tilespmem:$0x10200] =	vst v63  }
0x5f: {  	s25 =	sand.u32 $0x1FFFFFF0, s24;
	s26 =	spop (v2sf);
	s20 =	sadd.s32 s3, s31  }
0x60: {  	[tilespmem:s21], [sflag:$0x1] =	stream.linear.gather [hbm4b:s20+s2], $0x80, $0x38;
	[tilespmem:$0x10200] =	vst v63  }
0x61: {  	s28 =	sand.u32 $0x1FFFFFF0, s26;
	s17 =	sadd.s32 s3, s25;
	s29 =	spop (v2sf)  }
0x62: {  	[tilespmem:s1], [sflag:$0x1] =	stream.linear.gather [hbm4b:s17+s2], $0x80, $0x38;
	[tilespmem:$0x10200] =	vst v63  }
0x63: {  	s20 =	sadd.s32 s3, s28;
	s30 =	sand.u32 $0x1FFFFFF0, s29;
	s31 =	spop (v2sf)  }
0x64: {  	[tilespmem:s18], [sflag:$0x1] =	stream.linear.gather [hbm4b:s20+s2], $0x80, $0x38;
	[tilespmem:$0x10200] =	vst v63  }
0x65: {  	s17 =	sand.u32 $0x1FFFFFF0, s31;
	s1 =	sadd.s32 s3, s30;
	s20 =	spop (v2sf)  }
0x66: {  	[tilespmem:s0], [sflag:$0x1] =	stream.linear.gather [hbm4b:s1+s2], $0x80, $0x38;
	[tilespmem:$0x10200] =	vst v63  }
0x67: {  	s17 =	sadd.s32 s3, s17;
	s21 =	sand.u32 $0x1FFFFFF0, s20;
	s22 =	spop (v2sf)  }
0x68: {  	[tilespmem:s19], [sflag:$0x1] =	stream.linear.gather [hbm4b:s17+s2], $0x80, $0x38;
	[tilespmem:$0x10200] =	vst v63  }
0x69: {  	s0 =	sadd.s32 s3, s21;
	s1 =	sand.u32 $0x1FFFFFF0, s22;
	s23 =	spop (v2sf)  }
0x6a: {  	[tilespmem:s16], [sflag:$0x1] =	stream.linear.gather [hbm4b:s0+s2], $0x80, $0x38;
	[tilespmem:$0x10200] =	vst v63  }
0x6b: {  	s24 =	sand.u32 $0x1FFFFFF0, s23;
	s1 =	sadd.s32 s3, s1;
	s25 =	spop (v2sf)  }
0x6c: {  	[tilespmem:s14], [sflag:$0x1] =	stream.linear.gather [hbm4b:s1+s2], $0x80, $0x38;
	[tilespmem:$0x10200] =	vst v63  }
0x6d: {  	s26 =	sand.u32 $0x1FFFFFF0, s25;
	s28 =	spop (v2sf);
	s0 =	sadd.s32 s3, s24  }
0x6e: {  	[tilespmem:s15], [sflag:$0x1] =	stream.linear.gather [hbm4b:s0+s2], $0x80, $0x38;
	[tilespmem:$0x10200] =	vst v63  }
0x6f: {  	s30 =	sadd.s32 $0x900, s13;
	s29 =	sand.u32 $0x1FFFFFF0, s28;
	s1 =	sadd.s32 s3, s26  }
0x70: {  	[tilespmem:s30], [sflag:$0x1] =	stream.linear.gather [hbm4b:s1+s2], $0x80, $0x38;
	[tilespmem:$0x10200] =	vst v63  }
0x71: {  	s31 =	sadd.s32 $0x980, s13;
	s0 =	sadd.s32 s3, s29  }
0x72: {  	[tilespmem:s31], [sflag:$0x1] =	stream.linear.gather [hbm4b:s0+s2], $0x80, $0x38;
	[tilespmem:$0x10200] =	vst v63  }
0x73: {  	s12 =	sadd.s32 $0x1, s12;
	_ =	swait.ge [sflag:s10], $0x10000  }
0x74: {  	p0 =	sne.s32 s12, s6;
	[sflag:s10] =	ssyncset.done $0x0  }
.Ltmp1:
0x75: {  	[sflag:s10] =	ssyncadd.s32 $0xFFFF0000;
	(pc) =	sbr.rel @p0 .LBB2_1-.Ltmp1, $4  }
0x76: {  	[hbm4b:s5+s2] =	stream.linear.scatter [tilespmem:s11], [sflag:$0x2], $0x10000, $0x38;
	[tilespmem:$0x10200] =	vst v63  }
0x77: {  	_ =	swait.ge [sflag:s9], $0x10000  }
0x78: {  	[sflag:s9] =	ssyncset.done $0x0  }
0x79: {  	[sflag:s9] =	ssyncadd.s32 $0xFFFF0000  }
0x7a: {  	_ =	sfence.sel $0x180000  }
0x7b: {  	[bflag:$0x0] =	sbarrier.arrive $0xFFFF  }
0x7c: {  	_ =	strace $0x90000047  }
0x7d: {  	s0 =	stileid.u32;
	[bflag:$0x2] =	sbarrier.arrive $0xFFFF  }
0x7e: {  	p0 =	sne.s32 s0, $0x0;
	s0 =	rddreg [dreg:$0x2]  }
0x7f: {  	s0 =	sadd.s32 @!p0 $0x100000, s0  }
0x80: {  	[sflag:s0] =	ssyncadd.tile.s32 @!p0 $0x1;
	_ =	shalt  }
.Lfunc_end2:
_tile_overlayer_lowered:
.L_overlay_start_2:
0x81: {  	(tag) =	ssettag $0x2  }
0x82: {  	s0 =	rddreg [dreg:$0x0];
	s2 =	stileid.u32  }
0x83: {  	s1 =	rddreg [dreg:$0x1];
	p0 =	sne.s32 s2, $0x0  }
0x84: {  	s3 =	rddreg [dreg:$0x2];
	[bflag:$0x3] =	sbarrier.arrive $0xFFFF;
	s2 =	simm.s32 @!p0 $0x1C02  }
0x85: {  	[timem:s3], [sflag:s2] =	dma.local @!p0 [hbm:s0], s1  }
0x86: {  	s0 =	simm.s32 @!p0 $0x2  }
0x87: {  	_ =	swait.ge @!p0 [sflag:s0], s1  }
0x88: {  	s1 =	ssub.s32 @!p0 $0x0, s1;
	[sflag:s0] =	ssyncset.done @!p0 $0x0  }
0x89: {  	[sflag:s0] =	ssyncadd.s32 @!p0 s1  }
0x8a: {  	[bflag:$0x3] =	sbarrier.arrive $0xFFFF  }
0x8b: {  	_ =	shalt  }

</sc_bundles>
